<compile_context>
chip_gen: v7x
topology: tpu7x:2x2x1
jax: 0.10.2.dev20260603
libtpu: 0.0.44.dev20260713+nightly
codegen_flags: <defaults>
</compile_context>

<pallas_src>
import functools

import jax
import jax.numpy as jnp
from jax import lax
from jax.experimental import pallas as pl
from jax.experimental.pallas import tpu as pltpu
from jax.experimental.pallas import tpu_sc as plsc

IN_F = 128
OUT_F = 64
BATCH = 1024
LANES = 16
NC = 2
NS = 16
NW = NC * NS
BPW = BATCH // NW
OG = OUT_F // LANES


def _tc_body(x_ref, lv_ref, bias_ref, m_ref, pk_ref, dense_ref):
    lv = lv_ref[...]
    r1 = jnp.roll(lv, -1, axis=1)
    r2 = jnp.roll(lv, -2, axis=1)
    r3 = jnp.roll(lv, -3, axis=1)
    il = lax.broadcasted_iota(jnp.int32, (4 * IN_F, IN_F), 0)
    ic = lax.broadcasted_iota(jnp.int32, (4 * IN_F, IN_F), 1)
    sel = (il == 4 * ic).astype(jnp.float32)
    hi = jax.lax.Precision.HIGHEST
    pk_ref[0:OUT_F, :] = jnp.matmul(r2 - lv, sel, precision=hi)
    pk_ref[OUT_F:2 * OUT_F, :] = jnp.matmul(
        (lv - r1) + (r3 - r2), sel, precision=hi)
    pk_ref[2 * OUT_F:, :] = lax.bitcast_convert_type(
        m_ref[...], jnp.float32)
    c10 = jnp.matmul(r1 - lv, sel, precision=hi)
    l0c = jnp.matmul(lv, sel, precision=hi)
    bias2 = bias_ref[...] + jnp.sum(l0c, axis=1)[None, :]
    dense_ref[...] = jnp.matmul(x_ref[...], c10.T, precision=hi) + bias2


_tc_call = pl.pallas_call(
    _tc_body,
    out_shape=(
        jax.ShapeDtypeStruct((2 * OUT_F + IN_F, IN_F), jnp.float32),
        jax.ShapeDtypeStruct((BATCH, OUT_F), jnp.float32),
    ),
)


_sc_mesh = plsc.VectorSubcoreMesh(core_axis_name="c", subcore_axis_name="s")


@functools.partial(
    pl.kernel,
    out_type=jax.ShapeDtypeStruct((BATCH, OUT_F), jnp.float32),
    mesh=_sc_mesh,
    compiler_params=pltpu.CompilerParams(needs_layout_passes=False),
    scratch_types=[
        pltpu.VMEM((BPW * IN_F,), jnp.float32),
        pltpu.VMEM((2 * OUT_F + IN_F, IN_F), jnp.float32),
        pltpu.VMEM((BPW, OUT_F), jnp.float32),
    ],
)
def _sc_kernel(x_hbm, pk_hbm, dense_hbm, out_hbm, xv, pk, ov):
    wid = lax.axis_index("s") * NC + lax.axis_index("c")
    base = wid * BPW
    pltpu.sync_copy(x_hbm.at[pl.ds(base * IN_F, BPW * IN_F)], xv)
    pltpu.sync_copy(pk_hbm, pk)
    pltpu.sync_copy(dense_hbm.at[pl.ds(base, BPW)], ov)

    lane = lax.broadcasted_iota(jnp.int32, (LANES,), 0)
    o_lane = [lane + og * LANES for og in range(OG)]
    o_lane2 = [(lane + og * LANES) * 2 for og in range(OG)]
    bv0 = lane * IN_F
    bv1 = (lane + LANES) * IN_F

    def body_i(i, _):
        col = jnp.full((LANES,), i, jnp.int32)
        mrow = jnp.full((LANES,), 2 * OUT_F + (2 * i + 1) // IN_F, jnp.int32)
        mcol = jnp.full((LANES,), (2 * i + 1) % IN_F, jnp.int32)
        e0a = plsc.load_gather(xv, [bv0 + col])
        e0b = plsc.load_gather(xv, [bv1 + col])
        regs = []
        for og in range(OG):
            c01v = plsc.load_gather(pk, [o_lane[og], col])
            c11v = plsc.load_gather(pk, [o_lane[og] + OUT_F, col])
            rv = plsc.bitcast(
                plsc.load_gather(pk, [o_lane2[og] + mrow, mcol]), jnp.int32)
            regs.append((c01v, c11v, rv))

        @plsc.parallel_loop(0, BPW, unroll=4)
        def body_b(b):
            row = xv.at[pl.ds(b * IN_F, IN_F)]
            bidx = jnp.full((LANES,), jnp.bitwise_and(b, LANES - 1), jnp.int32)
            e0 = lax.gather(
                jnp.where(b < LANES, e0a, e0b), bidx[:, None],
                lax.GatherDimensionNumbers(
                    offset_dims=(), collapsed_slice_dims=(0,),
                    start_index_map=(0,)),
                slice_sizes=(1,),
                mode=lax.GatherScatterMode.PROMISE_IN_BOUNDS)
            for og in range(OG):
                c01v, c11v, rv = regs[og]
                e1 = plsc.load_gather(row, [rv])
                val = e1 * (c01v + c11v * e0)
                plsc.addupdate(ov.at[b, pl.ds(og * LANES, LANES)], val)

        return 0

    lax.fori_loop(0, IN_F, body_i, 0)
    pltpu.sync_copy(ov, out_hbm.at[pl.ds(base, BPW)])


def kernel(input, lut, bias, input_mask):
    lv = lut.reshape(OUT_F, 4 * IN_F)
    m2 = input_mask.reshape(IN_F, IN_F)
    packed, dense = _tc_call(input, lv, bias.reshape(1, OUT_F), m2)
    return _sc_kernel(input.reshape(-1), packed, dense)

# --- scband reference (transcript-rebuilt; emitter-appended) ---
"""Pipeline reference for scband-linear-16320875725432 (READ-ONLY COPY).

The authoritative reference and input builder live on the scoring server;
editing this copy changes nothing except your own understanding.
"""

import jax, jax.numpy as jnp
import numpy as np

IN_FEATURES = 128
OUT_FEATURES = 64
K = 2
KK = 2 ** K
TABLES = IN_FEATURES * OUT_FEATURES
BATCH = 1024


def _input_mask_builder():
    # Faithful port of Linear._input_mask_builder (numpy RNG, deterministic seed)
    rng = np.random.RandomState(0)
    result = []
    for _output_id in range(OUT_FEATURES):
        layer_input_size = IN_FEATURES * K
        random_indices = rng.choice(IN_FEATURES, layer_input_size)
        random_indices[::K] = np.arange(IN_FEATURES)
        result.append(random_indices)
    return np.array(result).flatten()


def setup_inputs(seed: int = 0) -> dict:
    key = jax.random.key(seed)
    k1, k2, k3 = jax.random.split(key, 3)
    # inputs treated as soft bits in [0, 1] (binary_calculations=False path)
    x = jax.random.uniform(k1, (BATCH, IN_FEATURES), dtype=jnp.float32)
    # learned LUT weights: one 2^k-entry table per (out_feature, in_feature) pair
    lut = jax.random.normal(k2, (TABLES, KK), dtype=jnp.float32) * 0.1
    bias = jax.random.normal(k3, (OUT_FEATURES,), dtype=jnp.float32) * 0.01
    input_mask = jnp.asarray(_input_mask_builder(), dtype=jnp.int32)
    return {"input": x, "lut": lut, "bias": bias, "input_mask": input_mask}


def reference(input, lut, bias, input_mask):
    assert input.ndim == 2
    batch_size = input.shape[0]
    # expanded_input = input[:, self.input_mask]  (gather, memory-bound)
    expanded = jnp.take(input, input_mask, axis=1)          # [B, TABLES*K]
    expanded = expanded.reshape(batch_size, TABLES, K)      # [B, T, K]
    # trainer(expanded_input): differentiable weightless LUT lookup.
    # Each table addresses 2^k entries; soft address probability is the
    # product over the k input bits of x^bit * (1-x)^(1-bit).
    addrs = jnp.arange(KK)
    bits = ((addrs[:, None] >> jnp.arange(K)[None, :]) & 1).astype(jnp.float32)  # [KK, K]
    e = expanded[:, :, None, :]                              # [B, T, 1, K]
    b = bits[None, None, :, :]                               # [1, 1, KK, K]
    probs = jnp.prod(e * b + (1.0 - e) * (1.0 - b), axis=-1)  # [B, T, KK]
    table_out = jnp.sum(probs * lut[None, :, :], axis=-1)     # [B, T]
    out = table_out.reshape(batch_size, -1)
    assert out.shape[-1] == TABLES
    out = out.reshape(batch_size, OUT_FEATURES, IN_FEATURES).sum(-1)  # [B, out]
    out = out + bias
    return out

if __name__ == "__main__":
    import jax
    _d = setup_inputs()
    print(jax.jit(kernel)(*tuple(_d.values())))

</pallas_src>

<mosaic_0001>
#map = affine_map<(d0, d1) -> (0)>
#map1 = affine_map<(d0, d1) -> (0, 0)>
module attributes {stable_mosaic.version = 14 : i64} {
  func.func @_sc_kernel(%arg0: i32, %arg1: i32, %arg2: memref<131072xf32, #tpu.memory_space<hbm>>, %arg3: memref<256x128xf32, #tpu.memory_space<hbm>>, %arg4: memref<1024x64xf32, #tpu.memory_space<hbm>>, %arg5: memref<1024x64xf32, #tpu.memory_space<hbm>>, %arg6: memref<4096xf32, #tpu.memory_space<vmem>>, %arg7: memref<256x128xf32, #tpu.memory_space<vmem>>, %arg8: memref<32x64xf32, #tpu.memory_space<vmem>>) attributes {dimension_semantics = [#tpu.dimension_semantics<core_parallel>, #tpu.dimension_semantics<subcore_parallel>], iteration_bounds = array<i64: 2, 16>, scalar_prefetch = 0 : i64, scratch_operands = 3 : i64, tpu.core_type = #tpu.core_type<sc_vector_subcore>, window_params = [{transform_indices = #map}, {transform_indices = #map1}, {transform_indices = #map1}, {transform_indices = #map1}]} {
    %mul3A = arith.constant 2 : i32
    %mul3A_0 = arith.muli %arg1, %mul3A : i32
    %add3A = arith.addi %mul3A_0, %arg0 : i32
    %mul3A_1 = arith.constant 32 : i32
    %mul3A_2 = arith.muli %add3A, %mul3A_1 : i32
    %mul3A_3 = arith.constant 128 : i32
    %mul3A_4 = arith.muli %mul3A_2, %mul3A_3 : i32
    "tpu.region"() ({
      %run_scoped3A = tpu.sem_alloc : memref<!tpu.dma_semaphore, #tpu.memory_space<semaphore_mem>>
      %dma_start3A = tpu.memref_slice %arg2[%mul3A_4] : memref<131072xf32, #tpu.memory_space<hbm>> -> memref<4096xf32, #tpu.memory_space<hbm>>
      %dma_start3A_56 = tpu.memref_slice %arg2[%mul3A_4] : memref<131072xf32, #tpu.memory_space<hbm>> -> memref<4096xf32, #tpu.memory_space<hbm>>
      tpu.enqueue_dma source(%dma_start3A_56 : memref<4096xf32, #tpu.memory_space<hbm>>) target(%arg6 : memref<4096xf32, #tpu.memory_space<vmem>>) target_semaphore(%run_scoped3A : memref<!tpu.dma_semaphore, #tpu.memory_space<semaphore_mem>>)
      %dma_wait3A = tpu.memref_slice %arg2[%mul3A_4] : memref<131072xf32, #tpu.memory_space<hbm>> -> memref<4096xf32, #tpu.memory_space<hbm>>
      %dma_wait3A_57 = tpu.memref_slice %arg2[%mul3A_4] : memref<131072xf32, #tpu.memory_space<hbm>> -> memref<4096xf32, #tpu.memory_space<hbm>>
      tpu.wait_dma2 semaphore(%run_scoped3A : memref<!tpu.dma_semaphore, #tpu.memory_space<semaphore_mem>>) src(%dma_wait3A_57 : memref<4096xf32, #tpu.memory_space<hbm>>) dst(%arg6 : memref<4096xf32, #tpu.memory_space<vmem>>)
      tpu.yield
    }) : () -> ()
    "tpu.region"() ({
      %run_scoped3A = tpu.sem_alloc : memref<!tpu.dma_semaphore, #tpu.memory_space<semaphore_mem>>
      tpu.enqueue_dma source(%arg3 : memref<256x128xf32, #tpu.memory_space<hbm>>) target(%arg7 : memref<256x128xf32, #tpu.memory_space<vmem>>) target_semaphore(%run_scoped3A : memref<!tpu.dma_semaphore, #tpu.memory_space<semaphore_mem>>)
      tpu.wait_dma2 semaphore(%run_scoped3A : memref<!tpu.dma_semaphore, #tpu.memory_space<semaphore_mem>>) src(%arg3 : memref<256x128xf32, #tpu.memory_space<hbm>>) dst(%arg7 : memref<256x128xf32, #tpu.memory_space<vmem>>)
      tpu.yield
    }) : () -> ()
    "tpu.region"() ({
      %run_scoped3A = tpu.sem_alloc : memref<!tpu.dma_semaphore, #tpu.memory_space<semaphore_mem>>
      %dma_start3A = arith.constant 0 : i32
      %dma_start3A_56 = tpu.memref_slice %arg4[%mul3A_2, %dma_start3A] : memref<1024x64xf32, #tpu.memory_space<hbm>> -> memref<32x64xf32, #tpu.memory_space<hbm>>
      %dma_start3A_57 = arith.constant 0 : i32
      %dma_start3A_58 = tpu.memref_slice %arg4[%mul3A_2, %dma_start3A_57] : memref<1024x64xf32, #tpu.memory_space<hbm>> -> memref<32x64xf32, #tpu.memory_space<hbm>>
      tpu.enqueue_dma source(%dma_start3A_58 : memref<32x64xf32, #tpu.memory_space<hbm>>) target(%arg8 : memref<32x64xf32, #tpu.memory_space<vmem>>) target_semaphore(%run_scoped3A : memref<!tpu.dma_semaphore, #tpu.memory_space<semaphore_mem>>)
      %dma_wait3A = arith.constant 0 : i32
      %dma_wait3A_59 = tpu.memref_slice %arg4[%mul3A_2, %dma_wait3A] : memref<1024x64xf32, #tpu.memory_space<hbm>> -> memref<32x64xf32, #tpu.memory_space<hbm>>
      %dma_wait3A_60 = arith.constant 0 : i32
      %dma_wait3A_61 = tpu.memref_slice %arg4[%mul3A_2, %dma_wait3A_60] : memref<1024x64xf32, #tpu.memory_space<hbm>> -> memref<32x64xf32, #tpu.memory_space<hbm>>
      tpu.wait_dma2 semaphore(%run_scoped3A : memref<!tpu.dma_semaphore, #tpu.memory_space<semaphore_mem>>) src(%dma_wait3A_61 : memref<32x64xf32, #tpu.memory_space<hbm>>) dst(%arg8 : memref<32x64xf32, #tpu.memory_space<vmem>>)
      tpu.yield
    }) : () -> ()
    %iota3A = tpu.iota {dimensions = array<i32: 0>} : vector<16xi32>
    %add3A_5 = arith.constant 0 : i32
    %add3A_6 = vector.broadcast %add3A_5 : i32 to vector<16xi32>
    %add3A_7 = arith.addi %iota3A, %add3A_6 : vector<16xi32>
    %add3A_8 = arith.constant 16 : i32
    %add3A_9 = vector.broadcast %add3A_8 : i32 to vector<16xi32>
    %add3A_10 = arith.addi %iota3A, %add3A_9 : vector<16xi32>
    %add3A_11 = arith.constant 32 : i32
    %add3A_12 = vector.broadcast %add3A_11 : i32 to vector<16xi32>
    %add3A_13 = arith.addi %iota3A, %add3A_12 : vector<16xi32>
    %add3A_14 = arith.constant 48 : i32
    %add3A_15 = vector.broadcast %add3A_14 : i32 to vector<16xi32>
    %add3A_16 = arith.addi %iota3A, %add3A_15 : vector<16xi32>
    %add3A_17 = arith.constant 0 : i32
    %add3A_18 = vector.broadcast %add3A_17 : i32 to vector<16xi32>
    %add3A_19 = arith.addi %iota3A, %add3A_18 : vector<16xi32>
    %mul3A_20 = arith.constant 2 : i32
    %mul3A_21 = vector.broadcast %mul3A_20 : i32 to vector<16xi32>
    %mul3A_22 = arith.muli %add3A_19, %mul3A_21 : vector<16xi32>
    %add3A_23 = arith.constant 16 : i32
    %add3A_24 = vector.broadcast %add3A_23 : i32 to vector<16xi32>
    %add3A_25 = arith.addi %iota3A, %add3A_24 : vector<16xi32>
    %mul3A_26 = arith.constant 2 : i32
    %mul3A_27 = vector.broadcast %mul3A_26 : i32 to vector<16xi32>
    %mul3A_28 = arith.muli %add3A_25, %mul3A_27 : vector<16xi32>
    %add3A_29 = arith.constant 32 : i32
    %add3A_30 = vector.broadcast %add3A_29 : i32 to vector<16xi32>
    %add3A_31 = arith.addi %iota3A, %add3A_30 : vector<16xi32>
    %mul3A_32 = arith.constant 2 : i32
    %mul3A_33 = vector.broadcast %mul3A_32 : i32 to vector<16xi32>
    %mul3A_34 = arith.muli %add3A_31, %mul3A_33 : vector<16xi32>
    %add3A_35 = arith.constant 48 : i32
    %add3A_36 = vector.broadcast %add3A_35 : i32 to vector<16xi32>
    %add3A_37 = arith.addi %iota3A, %add3A_36 : vector<16xi32>
    %mul3A_38 = arith.constant 2 : i32
    %mul3A_39 = vector.broadcast %mul3A_38 : i32 to vector<16xi32>
    %mul3A_40 = arith.muli %add3A_37, %mul3A_39 : vector<16xi32>
    %mul3A_41 = arith.constant 128 : i32
    %mul3A_42 = vector.broadcast %mul3A_41 : i32 to vector<16xi32>
    %mul3A_43 = arith.muli %iota3A, %mul3A_42 : vector<16xi32>
    %add3A_44 = arith.constant 16 : i32
    %add3A_45 = vector.broadcast %add3A_44 : i32 to vector<16xi32>
    %add3A_46 = arith.addi %iota3A, %add3A_45 : vector<16xi32>
    %mul3A_47 = arith.constant 128 : i32
    %mul3A_48 = vector.broadcast %mul3A_47 : i32 to vector<16xi32>
    %mul3A_49 = arith.muli %add3A_46, %mul3A_48 : vector<16xi32>
    %scan3A = arith.constant 0 : i32
    %scan3A_50 = arith.constant 0 : i32
    %scan3A_51 = arith.constant 128 : i32
    %scan3A_52 = arith.addi %scan3A_50, %scan3A_51 : i32
    %scan3A_53 = arith.constant 1 : i32
    %scan3A_54 = scf.for %scan3A_56 = %scan3A_50 to %scan3A_52 step %scan3A_53 iter_args(%scan3A_57 = %scan3A) -> (i32)  : i32 {
      %broadcast_in_dim3A = vector.broadcast %scan3A_56 : i32 to vector<16xi32>
      %mul3A_58 = arith.constant 2 : i32
      %mul3A_59 = arith.muli %mul3A_58, %scan3A_56 : i32
      %add3A_60 = arith.constant 1 : i32
      %add3A_61 = arith.addi %mul3A_59, %add3A_60 : i32
      %jit3A = arith.constant 128 : i32
      %div3A = arith.divsi %add3A_61, %jit3A : i32
      %sign3A = arith.constant 0 : i32
      %sign3A_62 = arith.cmpi sgt, %add3A_61, %sign3A : i32
      %sign3A_63 = arith.extui %sign3A_62 : i1 to i32
      %sign3A_64 = arith.constant 0 : i32
      %sign3A_65 = arith.cmpi slt, %add3A_61, %sign3A_64 : i32
      %sign3A_66 = arith.extui %sign3A_65 : i1 to i32
      %sign3A_67 = arith.subi %sign3A_63, %sign3A_66 : i32
      %sign3A_68 = arith.constant 0 : i32
      %sign3A_69 = arith.cmpi sgt, %jit3A, %sign3A_68 : i32
      %sign3A_70 = arith.extui %sign3A_69 : i1 to i32
      %sign3A_71 = arith.constant 0 : i32
      %sign3A_72 = arith.cmpi slt, %jit3A, %sign3A_71 : i32
      %sign3A_73 = arith.extui %sign3A_72 : i1 to i32
      %sign3A_74 = arith.subi %sign3A_70, %sign3A_73 : i32
      %ne3A = arith.cmpi ne, %sign3A_67, %sign3A_74 : i32
      %rem3A = arith.remsi %add3A_61, %jit3A : i32
      %ne3A_75 = arith.constant 0 : i32
      %ne3A_76 = arith.cmpi ne, %rem3A, %ne3A_75 : i32
      %and3A = arith.andi %ne3A, %ne3A_76 : i1
      %sub3A = arith.constant 1 : i32
      %sub3A_77 = arith.subi %div3A, %sub3A : i32
      %select_n3A = arith.select %and3A, %sub3A_77, %div3A : i32
      %add3A_78 = arith.constant 128 : i32
      %add3A_79 = arith.addi %add3A_78, %select_n3A : i32
      %broadcast_in_dim3A_80 = vector.broadcast %add3A_79 : i32 to vector<16xi32>
      %mul3A_81 = arith.constant 2 : i32
      %mul3A_82 = arith.muli %mul3A_81, %scan3A_56 : i32
      %add3A_83 = arith.constant 1 : i32
      %add3A_84 = arith.addi %mul3A_82, %add3A_83 : i32
      %jit3A_85 = arith.constant 128 : i32
      %eq3A = arith.constant 0 : i32
      %eq3A_86 = arith.cmpi eq, %jit3A_85, %eq3A : i32
      %jit3A_87 = arith.constant 1 : i32
      %select_n3A_88 = arith.select %eq3A_86, %jit3A_87, %jit3A_85 : i32
      %rem3A_89 = arith.remsi %add3A_84, %select_n3A_88 : i32
      %ne3A_90 = arith.constant 0 : i32
      %ne3A_91 = arith.cmpi ne, %rem3A_89, %ne3A_90 : i32
      %lt3A = arith.constant 0 : i32
      %lt3A_92 = arith.cmpi slt, %rem3A_89, %lt3A : i32
      %lt3A_93 = arith.constant 0 : i32
      %lt3A_94 = arith.cmpi slt, %select_n3A_88, %lt3A_93 : i32
      %ne3A_95 = arith.xori %lt3A_92, %lt3A_94 : i1
      %and3A_96 = arith.andi %ne3A_95, %ne3A_91 : i1
      %add3A_97 = arith.addi %rem3A_89, %select_n3A_88 : i32
      %select_n3A_98 = arith.select %and3A_96, %add3A_97, %rem3A_89 : i32
      %broadcast_in_dim3A_99 = vector.broadcast %select_n3A_98 : i32 to vector<16xi32>
      %add3A_100 = arith.addi %mul3A_43, %broadcast_in_dim3A : vector<16xi32>
      %gather3A = tpu.vector_load_idx %arg6[%add3A_100] : memref<4096xf32, #tpu.memory_space<vmem>>[vector<16xi32>], vector<16xf32>,
      %add3A_101 = arith.addi %mul3A_49, %broadcast_in_dim3A : vector<16xi32>
      %gather3A_102 = tpu.vector_load_idx %arg6[%add3A_101] : memref<4096xf32, #tpu.memory_space<vmem>>[vector<16xi32>], vector<16xf32>,
      %gather3A_103 = tpu.vector_load_idx %arg7[%add3A_7, %broadcast_in_dim3A] : memref<256x128xf32, #tpu.memory_space<vmem>>[vector<16xi32>, vector<16xi32>], vector<16xf32>,
      %add3A_104 = arith.constant 64 : i32
      %add3A_105 = vector.broadcast %add3A_104 : i32 to vector<16xi32>
      %add3A_106 = arith.addi %add3A_7, %add3A_105 : vector<16xi32>
      %gather3A_107 = tpu.vector_load_idx %arg7[%add3A_106, %broadcast_in_dim3A] : memref<256x128xf32, #tpu.memory_space<vmem>>[vector<16xi32>, vector<16xi32>], vector<16xf32>,
      %add3A_108 = arith.addi %mul3A_22, %broadcast_in_dim3A_80 : vector<16xi32>
      %gather3A_109 = tpu.vector_load_idx %arg7[%add3A_108, %broadcast_in_dim3A_99] : memref<256x128xf32, #tpu.memory_space<vmem>>[vector<16xi32>, vector<16xi32>], vector<16xf32>,
      %bitcast3A = vector.bitcast %gather3A_109 : vector<16xf32> to vector<16xi32>
      %gather3A_110 = tpu.vector_load_idx %arg7[%add3A_10, %broadcast_in_dim3A] : memref<256x128xf32, #tpu.memory_space<vmem>>[vector<16xi32>, vector<16xi32>], vector<16xf32>,
      %add3A_111 = arith.constant 64 : i32
      %add3A_112 = vector.broadcast %add3A_111 : i32 to vector<16xi32>
      %add3A_113 = arith.addi %add3A_10, %add3A_112 : vector<16xi32>
      %gather3A_114 = tpu.vector_load_idx %arg7[%add3A_113, %broadcast_in_dim3A] : memref<256x128xf32, #tpu.memory_space<vmem>>[vector<16xi32>, vector<16xi32>], vector<16xf32>,
      %add3A_115 = arith.addi %mul3A_28, %broadcast_in_dim3A_80 : vector<16xi32>
      %gather3A_116 = tpu.vector_load_idx %arg7[%add3A_115, %broadcast_in_dim3A_99] : memref<256x128xf32, #tpu.memory_space<vmem>>[vector<16xi32>, vector<16xi32>], vector<16xf32>,
      %bitcast3A_117 = vector.bitcast %gather3A_116 : vector<16xf32> to vector<16xi32>
      %gather3A_118 = tpu.vector_load_idx %arg7[%add3A_13, %broadcast_in_dim3A] : memref<256x128xf32, #tpu.memory_space<vmem>>[vector<16xi32>, vector<16xi32>], vector<16xf32>,
      %add3A_119 = arith.constant 64 : i32
      %add3A_120 = vector.broadcast %add3A_119 : i32 to vector<16xi32>
      %add3A_121 = arith.addi %add3A_13, %add3A_120 : vector<16xi32>
      %gather3A_122 = tpu.vector_load_idx %arg7[%add3A_121, %broadcast_in_dim3A] : memref<256x128xf32, #tpu.memory_space<vmem>>[vector<16xi32>, vector<16xi32>], vector<16xf32>,
      %add3A_123 = arith.addi %mul3A_34, %broadcast_in_dim3A_80 : vector<16xi32>
      %gather3A_124 = tpu.vector_load_idx %arg7[%add3A_123, %broadcast_in_dim3A_99] : memref<256x128xf32, #tpu.memory_space<vmem>>[vector<16xi32>, vector<16xi32>], vector<16xf32>,
      %bitcast3A_125 = vector.bitcast %gather3A_124 : vector<16xf32> to vector<16xi32>
      %gather3A_126 = tpu.vector_load_idx %arg7[%add3A_16, %broadcast_in_dim3A] : memref<256x128xf32, #tpu.memory_space<vmem>>[vector<16xi32>, vector<16xi32>], vector<16xf32>,
      %add3A_127 = arith.constant 64 : i32
      %add3A_128 = vector.broadcast %add3A_127 : i32 to vector<16xi32>
      %add3A_129 = arith.addi %add3A_16, %add3A_128 : vector<16xi32>
      %gather3A_130 = tpu.vector_load_idx %arg7[%add3A_129, %broadcast_in_dim3A] : memref<256x128xf32, #tpu.memory_space<vmem>>[vector<16xi32>, vector<16xi32>], vector<16xf32>,
      %add3A_131 = arith.addi %mul3A_40, %broadcast_in_dim3A_80 : vector<16xi32>
      %gather3A_132 = tpu.vector_load_idx %arg7[%add3A_131, %broadcast_in_dim3A_99] : memref<256x128xf32, #tpu.memory_space<vmem>>[vector<16xi32>, vector<16xi32>], vector<16xf32>,
      %bitcast3A_133 = vector.bitcast %gather3A_132 : vector<16xf32> to vector<16xi32>
      %parallel_loop3A = arith.constant 0 : i32
      %parallel_loop3A_134 = arith.constant 32 : i32
      %parallel_loop3A_135 = arith.constant 1 : i32
      scf.for %parallel_loop3A_137 = %parallel_loop3A to %parallel_loop3A_134 step %parallel_loop3A_135  : i32 {
        %parallel_loop3A_138 = arith.constant 128 : i32
        %parallel_loop3A_139 = arith.muli %parallel_loop3A_137, %parallel_loop3A_138 : i32
        %parallel_loop3A_140 = arith.constant 15 : i32
        %parallel_loop3A_141 = arith.andi %parallel_loop3A_137, %parallel_loop3A_140 : i32
        %parallel_loop3A_142 = vector.broadcast %parallel_loop3A_141 : i32 to vector<16xi32>
        %parallel_loop3A_143 = arith.constant 16 : i32
        %parallel_loop3A_144 = arith.cmpi slt, %parallel_loop3A_137, %parallel_loop3A_143 : i32
        %parallel_loop3A_145 = arith.select %parallel_loop3A_144, %gather3A, %gather3A_102 : vector<16xf32>
        %parallel_loop3A_146 = vector.shape_cast %parallel_loop3A_142 : vector<16xi32> to vector<16x1xi32>
        %parallel_loop3A_147 = vector.shape_cast %parallel_loop3A_146 : vector<16x1xi32> to vector<16xi32>
        %parallel_loop3A_148 = tpu.dynamic_gather %parallel_loop3A_145[%parallel_loop3A_147] in [0] : vector<16xf32>, vector<16xi32> -> vector<16xf32>
        %parallel_loop3A_149 = tpu.memref_slice %arg6[%parallel_loop3A_139] : memref<4096xf32, #tpu.memory_space<vmem>> -> memref<128xf32, #tpu.memory_space<vmem>>
        %parallel_loop3A_150 = tpu.vector_load_idx %parallel_loop3A_149[%bitcast3A] : memref<128xf32, #tpu.memory_space<vmem>>[vector<16xi32>], vector<16xf32>,
        %parallel_loop3A_151 = arith.mulf %gather3A_107, %parallel_loop3A_148 : vector<16xf32>
        %parallel_loop3A_152 = arith.addf %gather3A_103, %parallel_loop3A_151 : vector<16xf32>
        %parallel_loop3A_153 = arith.mulf %parallel_loop3A_150, %parallel_loop3A_152 : vector<16xf32>
        %parallel_loop3A_154 = arith.index_cast %parallel_loop3A_137 : i32 to index
        %parallel_loop3A_155 = arith.constant 0 : index
        %parallel_loop3A_156 = tpu.vector_load %arg8[%parallel_loop3A_154, %parallel_loop3A_155] {strides = array<i32>} : memref<32x64xf32, #tpu.memory_space<vmem>>, vector<16xf32>,
        tpu.vector_store %arg8[%parallel_loop3A_154, %parallel_loop3A_155], %parallel_loop3A_153 {add = true, strides = array<i32>} : memref<32x64xf32, #tpu.memory_space<vmem>>, vector<16xf32>,
        %parallel_loop3A_157 = tpu.memref_slice %arg6[%parallel_loop3A_139] : memref<4096xf32, #tpu.memory_space<vmem>> -> memref<128xf32, #tpu.memory_space<vmem>>
        %parallel_loop3A_158 = tpu.vector_load_idx %parallel_loop3A_157[%bitcast3A_117] : memref<128xf32, #tpu.memory_space<vmem>>[vector<16xi32>], vector<16xf32>,
        %parallel_loop3A_159 = arith.mulf %gather3A_114, %parallel_loop3A_148 : vector<16xf32>
        %parallel_loop3A_160 = arith.addf %gather3A_110, %parallel_loop3A_159 : vector<16xf32>
        %parallel_loop3A_161 = arith.mulf %parallel_loop3A_158, %parallel_loop3A_160 : vector<16xf32>
        %parallel_loop3A_162 = arith.index_cast %parallel_loop3A_137 : i32 to index
        %parallel_loop3A_163 = arith.constant 16 : index
        %parallel_loop3A_164 = tpu.vector_load %arg8[%parallel_loop3A_162, %parallel_loop3A_163] {strides = array<i32>} : memref<32x64xf32, #tpu.memory_space<vmem>>, vector<16xf32>,
        tpu.vector_store %arg8[%parallel_loop3A_162, %parallel_loop3A_163], %parallel_loop3A_161 {add = true, strides = array<i32>} : memref<32x64xf32, #tpu.memory_space<vmem>>, vector<16xf32>,
        %parallel_loop3A_165 = tpu.memref_slice %arg6[%parallel_loop3A_139] : memref<4096xf32, #tpu.memory_space<vmem>> -> memref<128xf32, #tpu.memory_space<vmem>>
        %parallel_loop3A_166 = tpu.vector_load_idx %parallel_loop3A_165[%bitcast3A_125] : memref<128xf32, #tpu.memory_space<vmem>>[vector<16xi32>], vector<16xf32>,
        %parallel_loop3A_167 = arith.mulf %gather3A_122, %parallel_loop3A_148 : vector<16xf32>
        %parallel_loop3A_168 = arith.addf %gather3A_118, %parallel_loop3A_167 : vector<16xf32>
        %parallel_loop3A_169 = arith.mulf %parallel_loop3A_166, %parallel_loop3A_168 : vector<16xf32>
        %parallel_loop3A_170 = arith.index_cast %parallel_loop3A_137 : i32 to index
        %parallel_loop3A_171 = arith.constant 32 : index
        %parallel_loop3A_172 = tpu.vector_load %arg8[%parallel_loop3A_170, %parallel_loop3A_171] {strides = array<i32>} : memref<32x64xf32, #tpu.memory_space<vmem>>, vector<16xf32>,
        tpu.vector_store %arg8[%parallel_loop3A_170, %parallel_loop3A_171], %parallel_loop3A_169 {add = true, strides = array<i32>} : memref<32x64xf32, #tpu.memory_space<vmem>>, vector<16xf32>,
        %parallel_loop3A_173 = tpu.memref_slice %arg6[%parallel_loop3A_139] : memref<4096xf32, #tpu.memory_space<vmem>> -> memref<128xf32, #tpu.memory_space<vmem>>
        %parallel_loop3A_174 = tpu.vector_load_idx %parallel_loop3A_173[%bitcast3A_133] : memref<128xf32, #tpu.memory_space<vmem>>[vector<16xi32>], vector<16xf32>,
        %parallel_loop3A_175 = arith.mulf %gather3A_130, %parallel_loop3A_148 : vector<16xf32>
        %parallel_loop3A_176 = arith.addf %gather3A_126, %parallel_loop3A_175 : vector<16xf32>
        %parallel_loop3A_177 = arith.mulf %parallel_loop3A_174, %parallel_loop3A_176 : vector<16xf32>
        %parallel_loop3A_178 = arith.index_cast %parallel_loop3A_137 : i32 to index
        %parallel_loop3A_179 = arith.constant 48 : index
        %parallel_loop3A_180 = tpu.vector_load %arg8[%parallel_loop3A_178, %parallel_loop3A_179] {strides = array<i32>} : memref<32x64xf32, #tpu.memory_space<vmem>>, vector<16xf32>,
        tpu.vector_store %arg8[%parallel_loop3A_178, %parallel_loop3A_179], %parallel_loop3A_177 {add = true, strides = array<i32>} : memref<32x64xf32, #tpu.memory_space<vmem>>, vector<16xf32>,
      } {sc.loop_unroll_factor = 4 : i64, sc.parallel_access}
      %scan3A_136 = arith.constant 0 : i32
      scf.yield %scan3A_136 : i32
    }
    %scan3A_55 = arith.constant 128 : i32
    "tpu.region"() ({
      %run_scoped3A = tpu.sem_alloc : memref<!tpu.dma_semaphore, #tpu.memory_space<semaphore_mem>>
      %dma_start3A = arith.constant 0 : i32
      %dma_start3A_56 = tpu.memref_slice %arg5[%mul3A_2, %dma_start3A] : memref<1024x64xf32, #tpu.memory_space<hbm>> -> memref<32x64xf32, #tpu.memory_space<hbm>>
      %dma_start3A_57 = arith.constant 0 : i32
      %dma_start3A_58 = tpu.memref_slice %arg5[%mul3A_2, %dma_start3A_57] : memref<1024x64xf32, #tpu.memory_space<hbm>> -> memref<32x64xf32, #tpu.memory_space<hbm>>
      tpu.enqueue_dma source(%arg8 : memref<32x64xf32, #tpu.memory_space<vmem>>) target(%dma_start3A_58 : memref<32x64xf32, #tpu.memory_space<hbm>>) target_semaphore(%run_scoped3A : memref<!tpu.dma_semaphore, #tpu.memory_space<semaphore_mem>>)
      %dma_wait3A = arith.constant 0 : i32
      %dma_wait3A_59 = tpu.memref_slice %arg5[%mul3A_2, %dma_wait3A] : memref<1024x64xf32, #tpu.memory_space<hbm>> -> memref<32x64xf32, #tpu.memory_space<hbm>>
      %dma_wait3A_60 = arith.constant 0 : i32
      %dma_wait3A_61 = tpu.memref_slice %arg5[%mul3A_2, %dma_wait3A_60] : memref<1024x64xf32, #tpu.memory_space<hbm>> -> memref<32x64xf32, #tpu.memory_space<hbm>>
      tpu.wait_dma2 semaphore(%run_scoped3A : memref<!tpu.dma_semaphore, #tpu.memory_space<semaphore_mem>>) src(%arg8 : memref<32x64xf32, #tpu.memory_space<vmem>>) dst(%dma_wait3A_61 : memref<32x64xf32, #tpu.memory_space<hbm>>)
      tpu.yield
    }) : () -> ()
    return
  }
}

module attributes {stable_mosaic.version = 14 : i64} {
  func.func @_tc_body(%arg0: memref<1024x128xf32, #tpu.memory_space<vmem>>, %arg1: memref<64x512xf32, #tpu.memory_space<vmem>>, %arg2: memref<1x64xf32, #tpu.memory_space<vmem>>, %arg3: memref<128x128xi32, #tpu.memory_space<vmem>>, %arg4: memref<256x128xf32, #tpu.memory_space<vmem>>, %arg5: memref<1024x64xf32, #tpu.memory_space<vmem>>) attributes {dimension_semantics = [], scalar_prefetch = 0 : i64, scratch_operands = 0 : i64, tpu.core_type = #tpu.core_type<tc>} {
    %get3A = arith.constant 0 : index
    %get3A_0 = arith.constant 0 : index
    %get3A_1 = vector.load %arg1[%get3A, %get3A_0] : memref<64x512xf32, #tpu.memory_space<vmem>>, vector<64x512xf32>
    %slice3A = vector.extract_strided_slice %get3A_1 {offsets = [0, 1], sizes = [64, 511], strides = [1, 1]} : vector<64x512xf32> to vector<64x511xf32>
    %slice3A_2 = vector.extract_strided_slice %get3A_1 {offsets = [0, 0], sizes = [64, 1], strides = [1, 1]} : vector<64x512xf32> to vector<64x1xf32>
    %concatenate3A = tpu.concatenate %slice3A, %slice3A_2 in 1 : vector<64x511xf32>, vector<64x1xf32> -> vector<64x512xf32>
    %slice3A_3 = vector.extract_strided_slice %get3A_1 {offsets = [0, 2], sizes = [64, 510], strides = [1, 1]} : vector<64x512xf32> to vector<64x510xf32>
    %slice3A_4 = vector.extract_strided_slice %get3A_1 {offsets = [0, 0], sizes = [64, 2], strides = [1, 1]} : vector<64x512xf32> to vector<64x2xf32>
    %concatenate3A_5 = tpu.concatenate %slice3A_3, %slice3A_4 in 1 : vector<64x510xf32>, vector<64x2xf32> -> vector<64x512xf32>
    %slice3A_6 = vector.extract_strided_slice %get3A_1 {offsets = [0, 3], sizes = [64, 509], strides = [1, 1]} : vector<64x512xf32> to vector<64x509xf32>
    %slice3A_7 = vector.extract_strided_slice %get3A_1 {offsets = [0, 0], sizes = [64, 3], strides = [1, 1]} : vector<64x512xf32> to vector<64x3xf32>
    %concatenate3A_8 = tpu.concatenate %slice3A_6, %slice3A_7 in 1 : vector<64x509xf32>, vector<64x3xf32> -> vector<64x512xf32>
    %iota3A = tpu.iota {dimensions = array<i32: 0>} : vector<512x128xi32>
    %iota3A_9 = tpu.iota {dimensions = array<i32: 1>} : vector<512x128xi32>
    %mul3A = arith.constant 4 : i32
    %mul3A_10 = vector.broadcast %mul3A : i32 to vector<512x128xi32>
    %mul3A_11 = arith.muli %mul3A_10, %iota3A_9 : vector<512x128xi32>
    %eq3A = arith.cmpi eq, %iota3A, %mul3A_11 : vector<512x128xi32>
    %convert_element_type3A = arith.extui %eq3A : vector<512x128xi1> to vector<512x128xi32>
    %convert_element_type3A_12 = arith.sitofp %convert_element_type3A : vector<512x128xi32> to vector<512x128xf32>
    %sub3A = arith.subf %concatenate3A_5, %get3A_1 : vector<64x512xf32>
    %dot_general3A = arith.constant dense<0.000000e+00> : vector<64x128xf32>
    %dot_general3A_13 = tpu.matmul %sub3A, %convert_element_type3A_12, %dot_general3A {dimension_numbers = #tpu.dot_dimension_numbers<[1], [0], [0], [1], [0, 0, 1, 1], [], []>, precision = #tpu.contract_precision<fp32>, transpose_lhs_hint = false} : vector<64x512xf32>, vector<512x128xf32>, vector<64x128xf32> -> vector<64x128xf32>
    %swap3A = arith.constant 0 : index
    %swap3A_14 = arith.constant 0 : index
    %swap3A_15 = vector.load %arg4[%swap3A, %swap3A_14] : memref<256x128xf32, #tpu.memory_space<vmem>>, vector<64x128xf32>
    tpu.vector_store %arg4[%swap3A, %swap3A_14], %dot_general3A_13 {strides = array<i32>} : memref<256x128xf32, #tpu.memory_space<vmem>>, vector<64x128xf32>,
    %sub3A_16 = arith.subf %get3A_1, %concatenate3A : vector<64x512xf32>
    %sub3A_17 = arith.subf %concatenate3A_8, %concatenate3A_5 : vector<64x512xf32>
    %add3A = arith.addf %sub3A_16, %sub3A_17 : vector<64x512xf32>
    %dot_general3A_18 = arith.constant dense<0.000000e+00> : vector<64x128xf32>
    %dot_general3A_19 = tpu.matmul %add3A, %convert_element_type3A_12, %dot_general3A_18 {dimension_numbers = #tpu.dot_dimension_numbers<[1], [0], [0], [1], [0, 0, 1, 1], [], []>, precision = #tpu.contract_precision<fp32>, transpose_lhs_hint = false} : vector<64x512xf32>, vector<512x128xf32>, vector<64x128xf32> -> vector<64x128xf32>
    %swap3A_20 = arith.constant 64 : index
    %swap3A_21 = arith.constant 0 : index
    %swap3A_22 = vector.load %arg4[%swap3A_20, %swap3A_21] : memref<256x128xf32, #tpu.memory_space<vmem>>, vector<64x128xf32>
    tpu.vector_store %arg4[%swap3A_20, %swap3A_21], %dot_general3A_19 {strides = array<i32>} : memref<256x128xf32, #tpu.memory_space<vmem>>, vector<64x128xf32>,
    %get3A_23 = arith.constant 0 : index
    %get3A_24 = arith.constant 0 : index
    %get3A_25 = vector.load %arg3[%get3A_23, %get3A_24] : memref<128x128xi32, #tpu.memory_space<vmem>>, vector<128x128xi32>
    %bitcast_convert_type3A = tpu.bitcast %get3A_25 : vector<128x128xi32> -> vector<128x128xf32>
    %swap3A_26 = arith.constant 128 : index
    %swap3A_27 = arith.constant 0 : index
    %swap3A_28 = vector.load %arg4[%swap3A_26, %swap3A_27] : memref<256x128xf32, #tpu.memory_space<vmem>>, vector<128x128xf32>
    tpu.vector_store %arg4[%swap3A_26, %swap3A_27], %bitcast_convert_type3A {strides = array<i32>} : memref<256x128xf32, #tpu.memory_space<vmem>>, vector<128x128xf32>,
    %sub3A_29 = arith.subf %concatenate3A, %get3A_1 : vector<64x512xf32>
    %dot_general3A_30 = arith.constant dense<0.000000e+00> : vector<64x128xf32>
    %dot_general3A_31 = tpu.matmul %sub3A_29, %convert_element_type3A_12, %dot_general3A_30 {dimension_numbers = #tpu.dot_dimension_numbers<[1], [0], [0], [1], [0, 0, 1, 1], [], []>, precision = #tpu.contract_precision<fp32>, transpose_lhs_hint = false} : vector<64x512xf32>, vector<512x128xf32>, vector<64x128xf32> -> vector<64x128xf32>
    %dot_general3A_32 = arith.constant dense<0.000000e+00> : vector<64x128xf32>
    %dot_general3A_33 = tpu.matmul %get3A_1, %convert_element_type3A_12, %dot_general3A_32 {dimension_numbers = #tpu.dot_dimension_numbers<[1], [0], [0], [1], [0, 0, 1, 1], [], []>, precision = #tpu.contract_precision<fp32>, transpose_lhs_hint = false} : vector<64x512xf32>, vector<512x128xf32>, vector<64x128xf32> -> vector<64x128xf32>
    %get3A_34 = arith.constant 0 : index
    %get3A_35 = arith.constant 0 : index
    %get3A_36 = vector.load %arg2[%get3A_34, %get3A_35] : memref<1x64xf32, #tpu.memory_space<vmem>>, vector<1x64xf32>
    %reduce_sum3A = arith.constant dense<0.000000e+00> : vector<64xf32>
    %reduce_sum3A_37 = vector.multi_reduction <add>, %dot_general3A_33, %reduce_sum3A [1] : vector<64x128xf32> to vector<64xf32>
    %broadcast_in_dim3A = vector.shape_cast %reduce_sum3A_37 : vector<64xf32> to vector<1x64xf32>
    %add3A_38 = arith.addf %get3A_36, %broadcast_in_dim3A : vector<1x64xf32>
    %get3A_39 = arith.constant 0 : index
    %get3A_40 = arith.constant 0 : index
    %get3A_41 = vector.load %arg0[%get3A_39, %get3A_40] : memref<1024x128xf32, #tpu.memory_space<vmem>>, vector<1024x128xf32>
    %transpose3A = tpu.transpose %dot_general3A_31, [1, 0] : vector<64x128xf32> -> vector<128x64xf32>
    %dot_general3A_42 = arith.constant dense<0.000000e+00> : vector<1024x64xf32>
    %dot_general3A_43 = tpu.matmul %get3A_41, %transpose3A, %dot_general3A_42 {dimension_numbers = #tpu.dot_dimension_numbers<[1], [0], [0], [1], [0, 0, 1, 1], [], []>, precision = #tpu.contract_precision<fp32>, transpose_lhs_hint = false} : vector<1024x128xf32>, vector<128x64xf32>, vector<1024x64xf32> -> vector<1024x64xf32>
    %add3A_44 = vector.broadcast %add3A_38 : vector<1x64xf32> to vector<1024x64xf32>
    %add3A_45 = arith.addf %dot_general3A_43, %add3A_44 : vector<1024x64xf32>
    %swap3A_46 = arith.constant 0 : index
    %swap3A_47 = arith.constant 0 : index
    %swap3A_48 = vector.load %arg5[%swap3A_46, %swap3A_47] : memref<1024x64xf32, #tpu.memory_space<vmem>>, vector<1024x64xf32>
    tpu.vector_store %arg5[%swap3A_46, %swap3A_47], %add3A_45 {strides = array<i32>} : memref<1024x64xf32, #tpu.memory_space<vmem>>, vector<1024x64xf32>,
    return
  }
}

</mosaic_0001>

<sc_bundles>
// kernel: kernel.4.cloned.1.call-start
scs
__scs_entry_jumppad:
0x0: {  	(pc) =	sbr.rel $0x88, $3  }
0x1: {  	(tag) =	ssettag $0x0;
	lr =	simm.s32 $0x1  }
0x2: {  	[smem:$0x3F9D] =	sst lr;
	_ =	strace $0xD0000000  }
0x3: {  	_ = 	snop  }
0x4: {  	_ = 	snop  }
0x5: {  	_ = 	snop  }
0x6: {  	_ = 	snop  }
0x7: {  	_ = 	snop  }
__scs_overlays_trampoline_lowered:
0x8: {  	[smem:$0x3FAC] =	sst s0  }
0x9: {  	[smem:$0x3FAD] =	sst s1  }
0xa: {  	[smem:$0x3FAE] =	sst s2  }
0xb: {  	[smem:$0x3FAF] =	sst s3  }
0xc: {  	[smem:$0x3FB0] =	sst s4  }
0xd: {  	[smem:$0x3FB1] =	sst s5  }
0xe: {  	[smem:$0x3FB2] =	sst s6  }
0xf: {  	[smem:$0x3FB3] =	sst s7  }
0x10: {  	[smem:$0x3FB4] =	sst s8  }
0x11: {  	[smem:$0x3FB5] =	sst s9;
	s0 =	simm.s32 @!p0 $0x0  }
0x12: {  	s1 =	sld [smem:$0x3F9B];
	s0 =	simm.s32 @p0 $0x1  }
0x13: {  	[smem:$0x3FB6] =	sst s0;
	s0 =	simm.s32 @!p1 $0x0  }
0x14: {  	s2 =	sld [smem:$0x3F9A];
	s0 =	simm.s32 @p1 $0x1  }
0x15: {  	[smem:$0x3FB7] =	sst s0;
	s0 =	simm.s32 @!p2 $0x0  }
0x16: {  	s3 =	sld [smem:$0x3FDB];
	s0 =	simm.s32 @p2 $0x1  }
0x17: {  	s4 =	simm.s32 $0x1BF5;
	[smem:$0x3FB9] =	sst s0  }
0x18: {  	s0 =	sld [smem:$0x3F9C];
	_ =	swait.ge [sflag:s4], $0x0  }
0x19: {  	s7 =	sld [smem:$0x3F9D]  }
0x1a: {  	s8 =	sadd.s32 $0xFFFFE003, lr  }
0x1b: {  	s9 =	sadd.s32 $0xFFFFFEF7, lr;
	s5 =	simm.s32 $0xFFFFFFFF;
	p2 =	slt.u32 s8, $0xFFFFF086  }
0x1c: {  	p1 =	slt.u32 s9, $0xF7A;
	s5 =	simm.s32 @!p2 $0x0  }
0x1d: {  	s5 =	simm.s32 @p1 $0x1;
	p0 =	seq.s32 s7, s2  }
0x1e: {  	s7 =	smul.u32 @!p0 $0xF7A, s2;
	p2 =	seq.s32 @!p0 s5, $0x0  }
0x1f: {  	s9 =	smul.u32 $0xF7A, s1;
	s8 =	simm.s32 @!p0 $0x1BF5;
	p2 =	por !p2, p0  }
0x20: {  	[sflag:s8] =	ssyncset.s32 @!p0 $0xFFFFF086;
	s6 =	sadd.s32 @!p0 s3, s7;
	s7 =	simm.s32 @!p0 $0x108  }
0x21: {  	s3 =	sadd.s32 s3, s9;
	s6 =	sadd.s32 @!p0 $0x88, s6;
	s7 =	simm.s32 @p2 $0x1082  }
0x22: {  	[simem:s7], [sflag:s8] =	dma.local @!p0 [hbm:s6], $0xF7A  }
0x23: {  	s9 =	sor.u32 $0xD0000000, s2;
	s6 =	simm.s32 $0x108;
	_ =	swait.ge @!p0 [sflag:s8], $0x0  }
0x24: {  	s3 =	sadd.s32 $0x88, s3;
	s6 =	simm.s32 @!p1 $0x1082;
	[sflag:s4] =	ssyncset.s32 $0xFFFFF086  }
0x25: {  	[simem:s6], [sflag:s4] =	dma.local [hbm:s3], $0xF7A  }
0x26: {  	[smem:$0x3F9D] =	sst s1;
	(tag) =	ssettag s2;
	_ =	strace s9  }
0x27: {  	s1 =	sld [smem:$0x3FAD]  }
0x28: {  	s2 =	sld [smem:$0x3FAE]  }
0x29: {  	s4 =	sld [smem:$0x3FB0]  }
0x2a: {  	p0 =	seq.s32 s5, $0x0;
	s5 =	sld [smem:$0x3FB1]  }
0x2b: {  	s6 =	sld [smem:$0x3FB2]  }
0x2c: {  	s7 =	sld [smem:$0x3FB3]  }
0x2d: {  	s3 =	simm.s32 $0x108;
	s8 =	sld [smem:$0x3FB4]  }
0x2e: {  	s3 =	simm.s32 @!p0 $0x1082;
	s9 =	sld [smem:$0x3FB5]  }
0x2f: {  	lr =	sadd.s32 s0, s3;
	s0 =	sld [smem:$0x3FAC]  }
0x30: {  	s3 =	sld [smem:$0x3FAF]  }
0x31: {  	[smem:$0x3FB8] =	sst s10  }
0x32: {  	s10 =	sld [smem:$0x3FB6];
	_ =	sdelay $0x3  }
0x33: {  	p0 =	seq.s32 s10, $0x1;
	s10 =	sld [smem:$0x3FB8];
	_ =	sdelay $0x3  }
0x34: {  	[smem:$0x3FB8] =	sst s10  }
0x35: {  	s10 =	sld [smem:$0x3FB7];
	_ =	sdelay $0x3  }
0x36: {  	p1 =	seq.s32 s10, $0x1;
	s10 =	sld [smem:$0x3FB8];
	_ =	sdelay $0x3  }
0x37: {  	[smem:$0x3FB8] =	sst s10  }
0x38: {  	s10 =	sld [smem:$0x3FB9]  }
0x39: {  	_ = 	snop;
	(pc) =	sbr.ind lr, $3  }
0x3a: {  	_ = 	snop  }
0x3b: {  	_ = 	snop  }
0x3c: {  	p2 =	seq.s32 s10, $0x1;
	s10 =	sld [smem:$0x3FB8]  }
0x3d: {  	_ =	shalt  }
0x3e: {  	_ =	shalt  }
0x3f: {  	_ =	shalt  }
0x40: {  	_ =	shalt  }
0x41: {  	_ =	shalt  }
0x42: {  	_ =	shalt  }
0x43: {  	_ =	shalt  }
0x44: {  	_ =	shalt  }
0x45: {  	_ =	shalt  }
0x46: {  	_ =	shalt  }
0x47: {  	_ =	shalt  }
0x48: {  	_ =	shalt  }
0x49: {  	_ =	shalt  }
0x4a: {  	_ =	shalt  }
0x4b: {  	_ =	shalt  }
0x4c: {  	_ =	shalt  }
0x4d: {  	_ =	shalt  }
0x4e: {  	_ =	shalt  }
0x4f: {  	_ =	shalt  }
0x50: {  	_ =	shalt  }
0x51: {  	_ =	shalt  }
0x52: {  	_ =	shalt  }
0x53: {  	_ =	shalt  }
0x54: {  	_ =	shalt  }
0x55: {  	_ =	shalt  }
0x56: {  	_ =	shalt  }
0x57: {  	_ =	shalt  }
0x58: {  	_ =	shalt  }
0x59: {  	_ =	shalt  }
0x5a: {  	_ =	shalt  }
0x5b: {  	_ =	shalt  }
0x5c: {  	_ =	shalt  }
0x5d: {  	_ =	shalt  }
0x5e: {  	_ =	shalt  }
0x5f: {  	_ =	shalt  }
0x60: {  	_ =	shalt  }
0x61: {  	_ =	shalt  }
0x62: {  	_ =	shalt  }
0x63: {  	_ =	shalt  }
0x64: {  	_ =	shalt  }
0x65: {  	_ =	shalt  }
0x66: {  	_ =	shalt  }
0x67: {  	_ =	shalt  }
0x68: {  	_ =	shalt  }
0x69: {  	_ =	shalt  }
0x6a: {  	_ =	shalt  }
0x6b: {  	_ =	shalt  }
0x6c: {  	_ =	shalt  }
0x6d: {  	_ =	shalt  }
0x6e: {  	_ =	shalt  }
0x6f: {  	_ =	shalt  }
0x70: {  	_ =	shalt  }
0x71: {  	_ =	shalt  }
0x72: {  	_ =	shalt  }
0x73: {  	_ =	shalt  }
0x74: {  	_ =	shalt  }
0x75: {  	_ =	shalt  }
0x76: {  	_ =	shalt  }
0x77: {  	_ =	shalt  }
0x78: {  	_ =	shalt  }
0x79: {  	_ =	shalt  }
0x7a: {  	_ =	shalt  }
0x7b: {  	_ =	shalt  }
0x7c: {  	_ =	shalt  }
0x7d: {  	_ =	shalt  }
0x7e: {  	_ =	shalt  }
0x7f: {  	_ =	shalt  }
0x80: {  	_ =	shalt  }
0x81: {  	_ =	shalt  }
0x82: {  	_ =	shalt  }
0x83: {  	_ =	shalt  }
0x84: {  	_ =	shalt  }
0x85: {  	_ =	shalt  }
0x86: {  	_ =	shalt  }
0x87: {  	_ =	shalt  }
.Lfunc_end0:
.L_simem_size_0:
called_computation_lowered:
.L_overlay_start_0:
0x88: {  	s2 =	sld [smem:$0x3FD9]  }
0x89: {  	s3 =	sld [smem:$0x3FFE];
	_ =	sdelay $0x1  }
0x8a: {  	s1 =	srdreg.scid  }
0x8b: {  	s0 =	sand.u32 $0x1, s1  }
0x8c: {  	s17 =	sshll.u32 s0, $0xA;
	s2 =	sadd.s32 s3, s2  }
0x8d: {  	s2 =	sadd.s32 s2, s17  }
0x8e: {  	[smem:$0x3FC4] =	sst s2  }
0x8f: {  	_ = 	snop  }
0x90: {  	s2 =	sld [smem:$0x3FC9]  }
0x91: {  	s18 =	sld [smem:$0x3FD0];
	(tm) =	ssettm $0x1  }
0x92: {  	s4 =	sld [smem:$0x3FFB];
	_ =	sdelay $0x3  }
0x93: {  	_ =	strace s4  }
0x94: {  	s4 =	sld [smem:$0x3FFC];
	_ =	sdelay $0x3  }
0x95: {  	_ =	strace s4  }
0x96: {  	s4 =	sld [smem:$0x3FFD];
	_ =	sdelay $0x3  }
0x97: {  	_ =	strace s4  }
0x98: {  	_ =	strace $0x8FFFFFFF  }
0x99: {  	s19 =	sld [smem:$0x3FDB];
	_ =	sdelay $0x1  }
0x9a: {  	s5 =	simm.s32 $_scs_section_size  }
0x9b: {  	s6 =	simm.s32 $_size__tile_overlayer_lowered;
	s7 =	simm.s32 $_tile_overlayer_lowered  }
0x9c: {  	s22 =	simm.s32 $0x1BFF;
	s21 =	sshll.u32 s7, $0x1;
	s4 =	sadd.s32 s5, s19  }
0x9d: {  	s8 =	simm.s32 $0x0;
	s20 =	sshll.u32 s6, $0x1;
	s6 =	sadd.s32 s21, s4  }
0x9e: {  	[timem:s8], [sflag:s22] =	dma.local [hbm:s6], s20  }
0x9f: {  	_ =	swait.ge [sflag:s22], s20  }
0xa0: {  	s5 =	ssub.s32 $0x0, s20;
	[sflag:s22] =	ssyncset.done $0x0  }
0xa1: {  	[sflag:s22] =	ssyncadd.s32 s5;
	_ =	sdelay $0x1  }
0xa2: {  	s23 =	simm.s32 $0x1B8B  }
0xa3: {  	_ =	swait.ge [sflag:s23], $0x1  }
0xa4: {  	[sflag:s23] =	ssyncset.done $0x0  }
0xa5: {  	s25 =	simm.s32 $0x1B8E;
	s24 =	sld [smem:$0x3FFE];
	[sflag:s23] =	ssyncadd.s32 $0xFFFFFFFF  }
0xa6: {  	s26 =	simm.s32 $execute0_lowered;
	[smem:$0x3FD2] =	sst s25  }
0xa7: {  	s6 =	sshll.u32 s26, $0x1;
	_ =	strace $0x80000046;
	[dreg:$0x1] =	wrdreg $0xFFFFFFFF  }
0xa8: {  	s28 =	simm.s32 $_size_execute0_lowered;
	s4 =	sadd.s32 s4, s6;
	[dreg:$0x0] =	wrdreg $0x0  }
0xa9: {  	s6 =	sshll.u32 s28, $0x1;
	[dreg:$0x2] =	wrdreg s4  }
0xaa: {  	[dreg:$0x3] =	wrdreg s6  }
0xab: {  	[dreg:$0x4] =	wrdreg $0xC0  }
0xac: {  	_ =	task [dreg:s8], $0x5FFFF  }
0xad: {  	[dreg:$0x1] =	wrdreg $0xFFFFFFFF  }
0xae: {  	[dreg:$0x0] =	wrdreg $0x60  }
0xaf: {  	[dreg:$0x2] =	wrdreg s2  }
0xb0: {  	[dreg:$0x3] =	wrdreg s18  }
0xb1: {  	[dreg:$0x4] =	wrdreg s24  }
0xb2: {  	[dreg:$0x5] =	wrdreg $0x9  }
0xb3: {  	_ =	task.clear_ibuf [dreg:s8], $0x6FFFF;
	_ =	strace $0x90000046  }
0xb4: {  	s29 =	simm.s32 $0x9;
	_ =	strace $0x80000048  }
0xb5: {  	_ =	swait.ge [sflag:s29], $0x1  }
0xb6: {  	[sflag:s29] =	ssyncadd.s32 $0xFFFFFFFF  }
0xb7: {  	_ =	strace $0x90000048  }
0xb8: {  	_ =	sfence  }
0xb9: {  	s30 =	sld [smem:$0x0];
	_ =	sdelay $0x2  }
0xba: {  	s31 =	sshll.u32 s1, $0xD;
	s1 =	sshrl.u32 s1, $0x2  }
0xbb: {  	s3 =	sand.u32 $0x4000, s31;
	s1 =	sadd.s32 s1, s30  }
0xbc: {  	s0 =	sor.u32 s3, s0;
	s1 =	sshll.u32 s1, $0x11  }
0xbd: {  	s0 =	sor.u32 s1, s0  }
0xbe: {  	s0 =	sadd.s32 $0x8F2B, s0  }
0xbf: {  	[sflag:s0] =	ssyncadd.remote.s32 $0x1  }
0xc0: {  	_ =	sfence.sel $0xFFFF  }
0xc1: {  	[dreg:$0x0] =	wrdreg $0xFFFFFFFF;
	(pc) =	sbr.abs _section_cstart, $3  }
0xc2: {  	[dreg:$0x1] =	wrdreg $0xFFFFFFFF  }
0xc3: {  	_ =	task.clear_ibuf [dreg:s8], $0x2FFFF;
	_ =	strace $0x9FFFFFFF  }
0xc4: {  	(tm) =	ssettm $0x7FFFFFFF  }
0xc5: {  	_ =	shalt  }
tec
execute0_lowered:
.L_overlay_start_1:
0x0: {  	(tag) =	ssettag $0x1  }
0x1: {  	s4 =	rddreg [dreg:$0x0]  }
0x2: {  	s2 =	rddreg [dreg:$0x1]  }
0x3: {  	s5 =	rddreg [dreg:$0x2];
	s3 =	srdreg.scid  }
0x4: {  	s0 =	rddreg [dreg:$0x3];
	s1 =	stileid.u32;
	v1 =	vlaneseq.u32;
	s10 =	simm.s32 $0x9000  }
0x5: {  	s11 =	simm.s32 $0x0;
	s6 =	sand.u32 $0x1, s3;
	s3 =	simm.s32 $0x0;
	v0 =	vmul.u32 $0x80, v1  }
0x6: {  	s7 =	sshll.u32 s1, $0xA;
	v1 =	vmul.u32 $0x100, v1;
	s8 =	sshll.u32 s6, $0x9;
	s6 =	ssub.s32 $0x2, s6  }
0x7: {  	[smem:$0x7FF] =	sst s3;
	s7 =	sor.u32 s8, s7;
	s31 =	sshrl.u32 s6, $0x1;
	v2 =	vor.u32 $0x800, v0  }
0x8: {  	_ =	strace $0x80000047;
	v3 =	vor.u32 $0x2000, v0;
	v4 =	vor.u32 $0x3000, v1;
	v5 =	vor.u32 $0x2000, v1;
	s8 =	sadd.s32 s7, s5;
	s9 =	ssub.s32 s6, s31  }
0x9: {  	v6 =	vor.u32 $0x1000, v1;
	v7 =	vor.u32 $0x2800, v0;
	v8 =	vor.u32 $0x1000, v0;
	s4 =	sadd.s32 s4, s7;
	s5 =	sadd.s32 $0x1000, s8;
	s6 =	sadd.s32 $0x5000, s8  }
0xa: {  	v9 =	vor.u32 $0x3000, v0;
	v10 =	vor.u32 $0x1800, v0;
	v11 =	vor.u32 $0x3800, v0;
	s7 =	smax.u32 s9, $0x1;
	s8 =	simm.s32 $0x1;
	s9 =	simm.s32 $0x1000  }
.LBB2_1:
0xb: {  	[tilespmem:s3], [sflag:$0x1] =	stream.linear.gather [hbm4b:s4+s3], $0x1000, $0x38;
	[tilespmem:$0xA000] =	vst v63  }
0xc: {  	_ =	swait.ge [sflag:s8], $0x1000  }
0xd: {  	[sflag:s8] =	ssyncset.done $0x0  }
0xe: {  	[sflag:s8] =	ssyncadd.s32 $0xFFFFF000  }
0xf: {  	[tilespmem:s9], [sflag:$0x1] =	stream.linear.gather [hbm4b:s2+s3], $0x8000, $0x38;
	[tilespmem:$0xA000] =	vst v63  }
0x10: {  	_ =	swait.ge [sflag:s8], $0x8000  }
0x11: {  	[sflag:s8] =	ssyncset.done $0x0  }
0x12: {  	[sflag:s8] =	ssyncadd.s32 $0xFFFF8000  }
0x13: {  	[tilespmem:s10], [sflag:$0x1] =	stream.linear.gather [hbm4b:s5+s3], $0x1000, $0x38;
	[tilespmem:$0xA000] =	vst v63  }
0x14: {  	_ =	swait.ge [sflag:s8], $0x1000  }
0x15: {  	[sflag:s8] =	ssyncset.done $0x0  }
0x16: {  	s12 =	simm.s32 $0x0;
	[sflag:s8] =	ssyncadd.s32 $0xFFFFF000  }
.LBB2_2:
0x17: {  	s13 =	sshrl.u32 s12, $0x6;
	v14 =	vor.u32 s12, v0  }
0x18: {  	v15 =	vor.u32 s12, v2;
	s13 =	sor.u32 $0x80, s13  }
0x19: {  	s14 =	sshll.u32 s12, $0x1;
	v12 =	vmov s13  }
0x1a: {  	v18 =	vor.u32 s12, v3;
	s23 =	sand.u32 $0x7E, s14;
	v16 =	vshll.u32 v12, $0x7  }
0x1b: {  	s24 =	simm.s32 $0x0;
	s14 =	sor.u32 $0x1, s23;
	v12 =	vadd.s32 v1, v16  }
0x1c: {  	v22 =	vor.u32 s12, v8;
	v17 =	vor.u32 s14, v12;
	v12 =	vld.idx.msk [tilespmem:v14+s24+$0x0], $0xffff  }
0x1d: {  	v13 =	vld.idx.msk [tilespmem:v15+s24+$0x0], $0xffff  }
0x1e: {  	v23 =	vor.u32 s12, v9;
	v24 =	vadd.s32 v5, v16;
	v14 =	vld.idx.msk [tilespmem:v14+s9+$0x0], $0xffff  }
0x1f: {  	v19 =	vadd.s32 v6, v16;
	v18 =	vld.idx.msk [tilespmem:v18+s9+$0x0], $0xffff;
	v24 =	vor.u32 s14, v24  }
0x20: {  	v20 =	vor.u32 s12, v7;
	v21 =	vor.u32 s14, v19;
	v19 =	vld.idx.msk [tilespmem:v15+s9+$0x0], $0xffff  }
0x21: {  	v15 =	vld.idx.msk [tilespmem:v22+s9+$0x0], $0xffff  }
0x22: {  	v25 =	vor.u32 s12, v10;
	v17 =	vld.idx.msk [tilespmem:v17+s9+$0x0], $0xffff  }
0x23: {  	v26 =	vor.u32 s12, v11;
	v16 =	vadd.s32 v4, v16;
	v22 =	vld.idx.msk [tilespmem:v23+s9+$0x0], $0xffff  }
0x24: {  	v23 =	vld.idx.msk [tilespmem:v24+s9+$0x0], $0xffff;
	v24 =	vor.u32 s14, v16  }
0x25: {  	v20 =	vld.idx.msk [tilespmem:v20+s9+$0x0], $0xffff  }
0x26: {  	s25 =	simm.s32 $0x1;
	v21 =	vld.idx.msk [tilespmem:v21+s9+$0x0], $0xffff  }
0x27: {  	p0 =	por $0x1, $0x1;
	s15 =	simm.s32 $0x0;
	s13 =	sand.u32 $0xD, s25;
	v16 =	vld.idx.msk [tilespmem:v25+s9+$0x0], $0xffff  }
0x28: {  	s15 =	sand.u32 $0xC, s15;
	v28 =	vmov s13;
	v27 =	vpsel p0, v12, v13;
	v25 =	vld.idx.msk [tilespmem:v26+s9+$0x0], $0xffff  }
0x29: {  	s16 =	simm.s32 $0x5;
	v29 =	vmov s15;
	s13 =	simm.s32 $0x0;
	v28 =	vperm.xlane v27, v28;
	v24 =	vld.idx.msk [tilespmem:v24+s9+$0x0], $0xffff  }
0x2a: {  	s26 =	simm.s32 $0x2;
	p6 =	por $0x1, $0x1;
	s16 =	sand.u32 $0xD, s16;
	v29 =	vperm.xlane v27, v29;
	v30 =	vld.idx.msk [tilespmem:v17+s13+$0x80], $0xffff  }
0x2b: {  	v37 =	vmov s16;
	s14 =	sand.u32 $0xE, s26;
	v57 =	vpsel p6, v12, v13;
	v31 =	vmul.f32 v28, v18;
	v33 =	vld.idx.msk [tilespmem:v17+s13+$0x0], $0xffff  }
0x2c: {  	s28 =	simm.s32 $0x3;
	v34 =	vmov s14;
	s14 =	simm.s32 $0x200;
	v38 =	vperm.xlane v57, v37;
	v26 =	vmul.f32 v29, v18;
	v47 =	vld.idx.msk [tilespmem:v17+s13+$0x100], $0xffff  }
0x2d: {  	v32 =	vmov s28;
	v31 =	vadd.f32 v31, v14;
	v39 =	vld.idx.msk [tilespmem:v17+s14+$0x80], $0xffff  }
0x2e: {  	v34 =	vperm.xlane v27, v34;
	v41 =	vmul.f32 v38, v18;
	v26 =	vadd.f32 v26, v14;
	v58 =	vld.idx.msk [tilespmem:v17+s14+$0x0], $0xffff  }
0x2f: {  	v27 =	vperm.xlane v27, v32;
	v45 =	vld.idx.msk [tilespmem:v17+s14+$0x100], $0xffff;
	v30 =	vmul.f32 v31, v30  }
0x30: {  	v35 =	vmul.f32 v34, v18;
	v41 =	vadd.f32 v41, v14;
	v31 =	vld.idx.msk [tilespmem:v17+s13+$0x180], $0xffff;
	v26 =	vmul.f32 v26, v33  }
0x31: {  	[tilespmem:s13+$0x9080] =	vst.add.f32.msk $0xffff, v30  }
0x32: {  	v36 =	vmul.f32 v27, v18;
	v61 =	vmul.f32 v41, v39;
	v30 =	vadd.f32 v35, v14;
	[tilespmem:s13+$0x9000] =	vst.add.f32.msk $0xffff, v26  }
0x33: {  	v48 =	vld.idx.msk [tilespmem:v21+s13+$0x80], $0xffff  }
0x34: {  	v49 =	vmul.f32 v28, v20;
	v36 =	vadd.f32 v36, v14;
	[tilespmem:s14+$0x9080] =	vst.add.f32.msk $0xffff, v61;
	v26 =	vmul.f32 v30, v47  }
0x35: {  	v30 =	vld.idx.msk [tilespmem:v21+s13+$0x0], $0xffff  }
0x36: {  	v50 =	vmul.f32 v29, v20;
	v35 =	vadd.f32 v49, v19;
	v31 =	vmul.f32 v36, v31;
	[tilespmem:s13+$0x9100] =	vst.add.f32.msk $0xffff, v26  }
0x37: {  	v26 =	vld.idx.msk [tilespmem:v21+s13+$0x100], $0xffff  }
0x38: {  	v32 =	vadd.f32 v50, v19;
	[tilespmem:s13+$0x9180] =	vst.add.f32.msk $0xffff, v31;
	v31 =	vmul.f32 v48, v35  }
0x39: {  	v51 =	vmul.f32 v34, v20;
	v52 =	vld.idx.msk [tilespmem:v21+s13+$0x180], $0xffff  }
0x3a: {  	v30 =	vmul.f32 v30, v32;
	[tilespmem:s13+$0x9090] =	vst.add.f32.msk $0xffff, v31  }
0x3b: {  	v53 =	vmul.f32 v27, v20;
	v31 =	vadd.f32 v51, v19;
	v54 =	vld.idx.msk [tilespmem:v23+s13+$0x80], $0xffff  }
0x3c: {  	s30 =	simm.s32 $0x7;
	s31 =	simm.s32 $0x6;
	[tilespmem:s13+$0x9010] =	vst.add.f32.msk $0xffff, v30  }
0x3d: {  	v40 =	vmov s30;
	s15 =	simm.s32 $0x4;
	s16 =	sand.u32 $0xE, s31;
	v35 =	vadd.f32 v53, v19;
	v26 =	vmul.f32 v26, v31;
	v30 =	vld.idx.msk [tilespmem:v23+s13+$0x0], $0xffff  }
0x3e: {  	s29 =	sand.u32 $0xC, s15;
	v46 =	vmov s16;
	v43 =	vmul.f32 v28, v22;
	v51 =	vld.idx.msk [tilespmem:v21+s14+$0x80], $0xffff;
	v31 =	vmul.f32 v29, v22  }
0x3f: {  	v56 =	vmov s29;
	v63 =	vperm.xlane v57, v46;
	[tilespmem:s13+$0x9110] =	vst.add.f32.msk $0xffff, v26;
	v26 =	vmul.f32 v52, v35  }
0x40: {  	v40 =	vperm.xlane v57, v40;
	v49 =	vadd.f32 v43, v15;
	v31 =	vadd.f32 v31, v15;
	v55 =	vld.idx.msk [tilespmem:v23+s13+$0x100], $0xffff  }
0x41: {  	v50 =	vmul.f32 v63, v18;
	[tilespmem:s13+$0x9190] =	vst.add.f32.msk $0xffff, v26;
	v26 =	vperm.xlane v57, v56  }
0x42: {  	v32 =	vmul.f32 v54, v49;
	v30 =	vmul.f32 v30, v31;
	v31 =	vld.idx.msk [tilespmem:v17+s14+$0x180], $0xffff  }
0x43: {  	v52 =	vadd.f32 v50, v14;
	v42 =	vld.idx.msk [tilespmem:v23+s13+$0x180], $0xffff;
	v59 =	vmul.f32 v26, v18  }
0x44: {  	v44 =	vmul.f32 v40, v18;
	[tilespmem:s13+$0x90A0] =	vst.add.f32.msk $0xffff, v32  }
0x45: {  	v53 =	vmul.f32 v52, v45;
	[tilespmem:s13+$0x9020] =	vst.add.f32.msk $0xffff, v30;
	v30 =	vmul.f32 v27, v22;
	v37 =	vadd.f32 v59, v14  }
0x46: {  	v62 =	vadd.f32 v44, v14;
	v60 =	vld.idx.msk [tilespmem:v24+s13+$0x0], $0xffff  }
0x47: {  	v29 =	vmul.f32 v29, v25;
	[tilespmem:s14+$0x9100] =	vst.add.f32.msk $0xffff, v53;
	v30 =	vadd.f32 v30, v15;
	v35 =	vmul.f32 v37, v58  }
0x48: {  	v54 =	vld.idx.msk [tilespmem:v24+s13+$0x80], $0xffff;
	v31 =	vmul.f32 v62, v31  }
0x49: {  	v29 =	vadd.f32 v29, v16;
	v30 =	vmul.f32 v42, v30;
	[tilespmem:s14+$0x9000] =	vst.add.f32.msk $0xffff, v35  }
0x4a: {  	[tilespmem:s14+$0x9180] =	vst.add.f32.msk $0xffff, v31  }
0x4b: {  	[tilespmem:s13+$0x91A0] =	vst.add.f32.msk $0xffff, v30;
	v30 =	vmul.f32 v34, v22;
	v29 =	vmul.f32 v60, v29  }
0x4c: {  	v31 =	vmul.f32 v38, v20;
	v48 =	vld.idx.msk [tilespmem:v21+s14+$0x0], $0xffff  }
0x4d: {  	[tilespmem:s13+$0x9030] =	vst.add.f32.msk $0xffff, v29;
	v29 =	vadd.f32 v30, v15  }
0x4e: {  	v28 =	vmul.f32 v28, v25;
	v58 =	vld.idx.msk [tilespmem:v21+s14+$0x180], $0xffff;
	v30 =	vadd.f32 v31, v19  }
0x4f: {  	v37 =	vld.idx.msk [tilespmem:v24+s13+$0x180], $0xffff;
	v31 =	vmul.f32 v26, v20;
	v29 =	vmul.f32 v55, v29  }
0x50: {  	v56 =	vmul.f32 v34, v25;
	v30 =	vmul.f32 v51, v30;
	v55 =	vld.idx.msk [tilespmem:v21+s14+$0x100], $0xffff  }
0x51: {  	v57 =	vmul.f32 v27, v25;
	v27 =	vmul.f32 v63, v20;
	[tilespmem:s13+$0x9120] =	vst.add.f32.msk $0xffff, v29;
	v29 =	vadd.f32 v31, v19  }
0x52: {  	v32 =	vmul.f32 v38, v22;
	v34 =	vmul.f32 v26, v22;
	[tilespmem:s14+$0x9090] =	vst.add.f32.msk $0xffff, v30  }
0x53: {  	v60 =	vadd.f32 v27, v19;
	v27 =	vmul.f32 v26, v25;
	v33 =	vld.idx.msk [tilespmem:v23+s14+$0x80], $0xffff;
	v59 =	vmul.f32 v48, v29  }
0x54: {  	v26 =	vmul.f32 v63, v25;
	v30 =	vmul.f32 v40, v20;
	v36 =	vld.idx.msk [tilespmem:v24+s13+$0x100], $0xffff  }
0x55: {  	v31 =	vmul.f32 v40, v22;
	v61 =	vmul.f32 v55, v60;
	[tilespmem:s14+$0x9010] =	vst.add.f32.msk $0xffff, v59  }
0x56: {  	v29 =	vmul.f32 v63, v22;
	v62 =	vadd.f32 v30, v19;
	v63 =	vadd.f32 v28, v16;
	v39 =	vld.idx.msk [tilespmem:v23+s14+$0x0], $0xffff  }
0x57: {  	v41 =	vadd.f32 v57, v16;
	v30 =	vmul.f32 v38, v25;
	v28 =	vmul.f32 v40, v25;
	[tilespmem:s14+$0x9110] =	vst.add.f32.msk $0xffff, v61  }
0x58: {  	s16 =	simm.s32 $0x1000;
	v38 =	vadd.f32 v56, v16;
	v40 =	vmul.f32 v54, v63;
	v42 =	vmul.f32 v58, v62;
	v35 =	vld.idx.msk [tilespmem:v23+s14+$0x100], $0xffff  }
.LBB2_3:
0x59: {  	s17 =	sshra.s32 s16, $0x2  }
0x5a: {  	s18 =	sadd.s32 $0x7, s15;
	[tilespmem:s13+$0x90B0] =	vst.add.f32.msk $0xffff, v40;
	v37 =	vmul.f32 v37, v41;
	s19 =	smov.u32 s15;
	s15 =	sadd.s32 $0x4, s15  }
0x5b: {  	v34 =	vadd.f32 v34, v15;
	v36 =	vmul.f32 v36, v38;
	s20 =	sand.u32 $0xC, s15;
	p0 =	slt.u32 s15, $0x10;
	s21 =	sadd.s32 $0x5, s19;
	[tilespmem:s14+$0x9190] =	vst.add.f32.msk $0xffff, v42  }
0x5c: {  	s19 =	sadd.s32 $0x6, s19;
	v41 =	vmov s18;
	v38 =	vmov s20;
	v40 =	vpsel p0, v12, v13;
	s20 =	sand.u32 $0xD, s21;
	p0 =	slt.u32 s15, $0x1C;
	[tilespmem:s13+$0x91B0] =	vst.add.f32.msk $0xffff, v37  }
0x5d: {  	s18 =	sand.u32 $0xE, s19;
	v37 =	vperm.xlane v40, v38;
	v38 =	vld.idx.msk [tilespmem:v17+s17+$0x0], $0xffff;
	v42 =	vmov s20;
	v41 =	vperm.xlane v40, v41  }
0x5e: {  	v34 =	vmul.f32 v39, v34;
	v42 =	vperm.xlane v40, v42;
	[tilespmem:s13+$0x9130] =	vst.add.f32.msk $0xffff, v36;
	s13 =	smov.u32 s14;
	s14 =	smov.u32 s17  }
0x5f: {  	v36 =	vmul.f32 v37, v18;
	v39 =	vld.idx.msk [tilespmem:v17+s14+$0x80], $0xffff;
	v43 =	vmul.f32 v41, v18  }
0x60: {  	v46 =	vmov s18;
	v44 =	vmul.f32 v42, v18;
	v45 =	vmul.f32 v42, v20;
	v47 =	vld.idx.msk [tilespmem:v17+s14+$0x180], $0xffff  }
0x61: {  	v48 =	vmul.f32 v41, v20;
	v36 =	vadd.f32 v36, v14;
	v43 =	vadd.f32 v43, v14;
	v49 =	vld.idx.msk [tilespmem:v23+s13+$0x180], $0xffff  }
0x62: {  	v40 =	vperm.xlane v40, v46;
	v50 =	vmul.f32 v37, v20;
	v44 =	vadd.f32 v44, v14;
	[tilespmem:s13+$0x9020] =	vst.add.f32.msk $0xffff, v34  }
0x63: {  	v34 =	vmul.f32 v37, v22;
	v36 =	vmul.f32 v36, v38;
	v38 =	vld.idx.msk [tilespmem:v24+s13+$0x0], $0xffff  }
0x64: {  	v51 =	vmul.f32 v40, v18;
	v52 =	vmul.f32 v40, v20;
	v46 =	vld.idx.msk [tilespmem:v17+s14+$0x100], $0xffff  }
0x65: {  	[tilespmem:s14+$0x9000] =	vst.add.f32.msk $0xffff, v36;
	v36 =	vmul.f32 v44, v39;
	v39 =	vadd.f32 v31, v15;
	v31 =	vmul.f32 v41, v22  }
0x66: {  	v53 =	vmul.f32 v42, v22;
	v43 =	vmul.f32 v43, v47;
	v44 =	vld.idx.msk [tilespmem:v21+s14+$0x0], $0xffff  }
0x67: {  	v54 =	vadd.f32 v32, v15;
	[tilespmem:s14+$0x9080] =	vst.add.f32.msk $0xffff, v36;
	v36 =	vmul.f32 v40, v22;
	v39 =	vmul.f32 v49, v39  }
0x68: {  	v40 =	vmul.f32 v40, v25;
	v49 =	vadd.f32 v27, v16;
	v27 =	vmul.f32 v37, v25;
	v47 =	vld.idx.msk [tilespmem:v21+s14+$0x80], $0xffff  }
0x69: {  	v33 =	vmul.f32 v33, v54;
	v42 =	vmul.f32 v42, v25;
	v32 =	vmov v53;
	[tilespmem:s13+$0x91A0] =	vst.add.f32.msk $0xffff, v39  }
0x6a: {  	v37 =	vadd.f32 v51, v14;
	v38 =	vmul.f32 v38, v49;
	[tilespmem:s14+$0x9180] =	vst.add.f32.msk $0xffff, v43;
	v43 =	vmul.f32 v41, v25  }
0x6b: {  	[tilespmem:s13+$0x90A0] =	vst.add.f32.msk $0xffff, v33  }
0x6c: {  	v33 =	vmul.f32 v37, v46;
	v37 =	vadd.f32 v29, v15;
	v29 =	vmov v36;
	[tilespmem:s13+$0x9030] =	vst.add.f32.msk $0xffff, v38  }
0x6d: {  	v36 =	vadd.f32 v45, v19;
	v41 =	vld.idx.msk [tilespmem:v24+s13+$0x80], $0xffff  }
0x6e: {  	v45 =	vadd.f32 v48, v19;
	[tilespmem:s14+$0x9100] =	vst.add.f32.msk $0xffff, v33;
	v33 =	vmul.f32 v35, v37  }
0x6f: {  	v35 =	vmul.f32 v47, v36;
	v38 =	vld.idx.msk [tilespmem:v21+s14+$0x100], $0xffff  }
0x70: {  	[tilespmem:s13+$0x9120] =	vst.add.f32.msk $0xffff, v33  }
0x71: {  	v36 =	vadd.f32 v50, v19;
	[tilespmem:s14+$0x9090] =	vst.add.f32.msk $0xffff, v35  }
0x72: {  	v33 =	vld.idx.msk [tilespmem:v23+s14+$0x80], $0xffff  }
0x73: {  	v35 =	vmul.f32 v44, v36;
	v44 =	vld.idx.msk [tilespmem:v21+s14+$0x180], $0xffff  }
0x74: {  	v39 =	vadd.f32 v52, v19;
	v37 =	vld.idx.msk [tilespmem:v24+s13+$0x180], $0xffff  }
.Ltmp0:
0x75: {  	v36 =	vld.idx.msk [tilespmem:v24+s13+$0x100], $0xffff;
	(pc) =	sbr.rel @p0 .LBB2_3-.Ltmp0, $4  }
0x76: {  	v46 =	vadd.f32 v30, v16;
	[tilespmem:s14+$0x9010] =	vst.add.f32.msk $0xffff, v35;
	v35 =	vmul.f32 v38, v39;
	v38 =	vadd.f32 v26, v16  }
0x77: {  	v30 =	vmov v42;
	v26 =	vmov v40;
	v39 =	vld.idx.msk [tilespmem:v23+s14+$0x0], $0xffff  }
0x78: {  	v40 =	vmul.f32 v41, v46;
	v41 =	vadd.f32 v28, v16;
	v28 =	vmov v43;
	[tilespmem:s14+$0x9110] =	vst.add.f32.msk $0xffff, v35  }
0x79: {  	s16 =	sadd.s32 $0x800, s16;
	v42 =	vmul.f32 v44, v45;
	v35 =	vld.idx.msk [tilespmem:v23+s14+$0x100], $0xffff  }
0x7a: {  	_ = 	snop  }
0x7b: {  	v13 =	vadd.f32 v34, v15  }
0x7c: {  	v17 =	vadd.f32 v32, v15  }
0x7d: {  	[tilespmem:s14+$0x9190] =	vst.add.f32.msk $0xffff, v42;
	v13 =	vmul.f32 v39, v13  }
0x7e: {  	v56 =	vadd.f32 v29, v15;
	v12 =	vld.idx.msk [tilespmem:v23+s14+$0x180], $0xffff;
	v55 =	vmul.f32 v33, v17  }
0x7f: {  	[tilespmem:s14+$0x9020] =	vst.add.f32.msk $0xffff, v13  }
0x80: {  	[tilespmem:s14+$0x90A0] =	vst.add.f32.msk $0xffff, v55;
	v57 =	vmul.f32 v35, v56  }
0x81: {  	v14 =	vadd.f32 v31, v15;
	v13 =	vld.idx.msk [tilespmem:v24+s14+$0x0], $0xffff  }
0x82: {  	[tilespmem:s14+$0x9120] =	vst.add.f32.msk $0xffff, v57  }
0x83: {  	v12 =	vmul.f32 v12, v14;
	v14 =	vld.idx.msk [tilespmem:v24+s14+$0x80], $0xffff  }
0x84: {  	v18 =	vld.idx.msk [tilespmem:v24+s14+$0x100], $0xffff  }
0x85: {  	[tilespmem:s14+$0x91A0] =	vst.add.f32.msk $0xffff, v12  }
0x86: {  	v59 =	vmul.f32 v37, v41;
	v60 =	vadd.f32 v27, v16;
	v58 =	vld.idx.msk [tilespmem:v24+s14+$0x180], $0xffff  }
0x87: {  	[tilespmem:s13+$0x90B0] =	vst.add.f32.msk $0xffff, v40;
	v19 =	vmul.f32 v36, v38;
	v20 =	vadd.f32 v30, v16;
	s12 =	sadd.s32 $0x1, s12  }
0x88: {  	v62 =	vadd.f32 v26, v16;
	p0 =	sne.s32 s12, $0x80;
	[tilespmem:s13+$0x91B0] =	vst.add.f32.msk $0xffff, v59;
	v13 =	vmul.f32 v13, v60  }
.Ltmp1:
0x89: {  	v61 =	vadd.f32 v28, v16;
	[tilespmem:s13+$0x9130] =	vst.add.f32.msk $0xffff, v19;
	v14 =	vmul.f32 v14, v20;
	(pc) =	sbr.rel @p0 .LBB2_2-.Ltmp1, $4  }
0x8a: {  	[tilespmem:s14+$0x9030] =	vst.add.f32.msk $0xffff, v13;
	v63 =	vmul.f32 v18, v62  }
0x8b: {  	[tilespmem:s14+$0x90B0] =	vst.add.f32.msk $0xffff, v14;
	v12 =	vmul.f32 v58, v61  }
0x8c: {  	[tilespmem:s14+$0x9130] =	vst.add.f32.msk $0xffff, v63  }
0x8d: {  	[tilespmem:s14+$0x91B0] =	vst.add.f32.msk $0xffff, v12  }
0x8e: {  	s11 =	sadd.s32 $0x1, s11  }
0x8f: {  	p0 =	sne.s32 s11, s7  }
.Ltmp2:
0x90: {  	_ = 	snop;
	(pc) =	sbr.rel @p0 .LBB2_1-.Ltmp2, $4  }
0x91: {  	[hbm4b:s6+s3] =	stream.linear.scatter [tilespmem:s10], [sflag:$0x1], $0x1000, $0x38;
	[tilespmem:$0xA000] =	vst v63  }
0x92: {  	_ =	swait.ge [sflag:s8], $0x1000  }
0x93: {  	[sflag:s8] =	ssyncset.done $0x0  }
0x94: {  	[sflag:s8] =	ssyncadd.s32 $0xFFFFF000  }
0x95: {  	_ =	sfence.sel $0x180000  }
0x96: {  	[bflag:$0x0] =	sbarrier.arrive $0xFFFF  }
0x97: {  	p0 =	sne.s32 s1, $0x0;
	_ =	strace $0x90000047  }
0x98: {  	s0 =	sadd.s32 @!p0 $0x100000, s0;
	[bflag:$0x2] =	sbarrier.arrive $0xFFFF  }
0x99: {  	[sflag:s0] =	ssyncadd.tile.s32 @!p0 $0x1;
	_ =	shalt  }
.Lfunc_end2:
_tile_overlayer_lowered:
.L_overlay_start_2:
0x9a: {  	(tag) =	ssettag $0x2  }
0x9b: {  	s0 =	rddreg [dreg:$0x0];
	s2 =	stileid.u32  }
0x9c: {  	s1 =	rddreg [dreg:$0x1];
	p0 =	sne.s32 s2, $0x0  }
0x9d: {  	s3 =	rddreg [dreg:$0x2];
	[bflag:$0x3] =	sbarrier.arrive $0xFFFF;
	s2 =	simm.s32 @!p0 $0x1C01  }
0x9e: {  	[timem:s3], [sflag:s2] =	dma.local @!p0 [hbm:s0], s1  }
0x9f: {  	s0 =	simm.s32 @!p0 $0x1  }
0xa0: {  	_ =	swait.ge @!p0 [sflag:s0], s1  }
0xa1: {  	s1 =	ssub.s32 @!p0 $0x0, s1;
	[sflag:s0] =	ssyncset.done @!p0 $0x0  }
0xa2: {  	[sflag:s0] =	ssyncadd.s32 @!p0 s1  }
0xa3: {  	[bflag:$0x3] =	sbarrier.arrive $0xFFFF  }
0xa4: {  	_ =	shalt  }

</sc_bundles>
